<compile_context>
chip_gen: v7x
topology: tpu7x:2x2x1
jax: 0.10.2.dev20260603
libtpu: 0.0.44.dev20260713+nightly
codegen_flags: <defaults>
</compile_context>

<pallas_src>
import functools

import jax
import jax.numpy as jnp
from jax import lax
from jax.experimental import pallas as pl
from jax.experimental.pallas import tpu as pltpu
from jax.experimental.pallas import tpu_sc as plsc

_N_E = 8192
_E = 32
_SRC = 1024
_NT = 8192
_TB = 1024
_KC = 256
_BETA = 0.25

_NW = 32
_BPW = _NT // _NW


def _enc_kernel(x_ref, we_ref, be_ref, z_ref):
    acc = jnp.zeros((_TB, _E), jnp.float32)
    for k0 in range(0, _SRC, _KC):
        acc = acc + jnp.dot(x_ref[:, k0:k0 + _KC], we_ref[k0:k0 + _KC, :],
                            preferred_element_type=jnp.float32)
    z_ref[...] = acc + be_ref[...]


def _encode(xf, W_enc, b_enc):
    return pl.pallas_call(
        _enc_kernel,
        grid=(_NT // _TB,),
        in_specs=[
            pl.BlockSpec((_TB, _SRC), lambda i: (i, 0)),
            pl.BlockSpec((_SRC, _E), lambda i: (0, 0)),
            pl.BlockSpec((1, _E), lambda i: (0, 0)),
        ],
        out_specs=pl.BlockSpec((_TB, _E), lambda i: (i, 0)),
        out_shape=jax.ShapeDtypeStruct((_NT, _E), jnp.float32),
    )(xf, W_enc, b_enc.reshape(1, _E))


_sc_mesh = plsc.VectorSubcoreMesh(core_axis_name="c", subcore_axis_name="s")


@functools.partial(
    pl.kernel,
    mesh=_sc_mesh,
    out_type=jax.ShapeDtypeStruct((_NT, 128), jnp.float32),
    scratch_types=[
        pltpu.VMEM((2, 128), jnp.int32),
        pltpu.VMEM((_BPW, 128), jnp.float32),
        pltpu.SemaphoreType.DMA,
    ],
)
def _sc_gather(table_hbm, idx_hbm, out_hbm, idx_v, rows_v, sem):
    wid = lax.axis_index("s") * 2 + lax.axis_index("c")
    base = wid * _BPW
    for j in range(2):
        pltpu.sync_copy(idx_hbm.at[pl.ds(base + j * 128, 128)], idx_v.at[j])
        pltpu.async_copy(table_hbm.at[idx_v.at[j]],
                         rows_v.at[pl.ds(j * 128, 128), :], sem).wait()
    pltpu.sync_copy(rows_v, out_hbm.at[pl.ds(base, _BPW)])


def _dec_kernel(zq_ref, z_ref, wd_ref, bd_ref, out_ref, loss_ref):
    i = pl.program_id(0)
    z = z_ref[...]
    zq = zq_ref[...]
    dz = zq - z
    ste = z + dz
    out_ref[...] = (jnp.dot(ste, wd_ref[...], preferred_element_type=jnp.float32)
                    + bd_ref[...])
    part = jnp.sum(dz * dz, keepdims=True).reshape(1, 1)
    loss_ref[...] = jnp.where(i == 0, part, loss_ref[...] + part)


def _decode(zq, z_flat, W_dec, b_dec):
    return pl.pallas_call(
        _dec_kernel,
        grid=(_NT // _TB,),
        in_specs=[
            pl.BlockSpec((_TB, _E), lambda i: (i, 0)),
            pl.BlockSpec((_TB, _E), lambda i: (i, 0)),
            pl.BlockSpec((_E, _SRC), lambda i: (0, 0)),
            pl.BlockSpec((1, _SRC), lambda i: (0, 0)),
        ],
        out_specs=[
            pl.BlockSpec((_TB, _SRC), lambda i: (i, 0)),
            pl.BlockSpec((1, 1), lambda i: (0, 0)),
        ],
        out_shape=[
            jax.ShapeDtypeStruct((_NT, _SRC), jnp.float32),
            jax.ShapeDtypeStruct((1, 1), jnp.float32),
        ],
    )(zq, z_flat, W_dec, b_dec.reshape(1, _SRC))


def kernel(x, W_enc, b_enc, codebook, W_dec, b_dec):
    B, T, D = x.shape
    z_flat = _encode(x.reshape(_NT, _SRC), W_enc, b_enc)
    dm = (jnp.sum(z_flat ** 2, axis=1, keepdims=True)
          + jnp.sum(codebook ** 2, axis=1)
          - 2.0 * jnp.einsum('bd,dn->bn', z_flat, jnp.transpose(codebook)))
    idx = jnp.argmin(dm, axis=1).reshape(B, T)
    z_q = jnp.take(codebook, idx, axis=0).reshape(_NT, _E)
    out_f, loss_sum = _decode(z_q, z_flat, W_dec, b_dec)
    m = loss_sum[0, 0] / (_NT * _E)
    loss = _BETA * m + m
    return out_f.reshape(B, T, D), loss

# --- scband reference (transcript-rebuilt; emitter-appended) ---
"""Pipeline reference for scband-vqauto-encoder-49873160241486 (READ-ONLY COPY).

The authoritative reference and input builder live on the scoring server;
editing this copy changes nothing except your own understanding.
"""

import jax, jax.numpy as jnp
import numpy as np

N_E = 8192
E_DIM = 32
SRC_DIM = 1024
BETA = 0.25


def setup_inputs(seed: int = 0) -> dict:
    key = jax.random.key(seed)
    ks = jax.random.split(key, 6)
    x = jax.random.normal(ks[0], (8, 1024, SRC_DIM), dtype=jnp.float32)
    W_enc = jax.random.normal(ks[1], (SRC_DIM, E_DIM), dtype=jnp.float32) * (1.0 / np.sqrt(SRC_DIM))
    b_enc = jnp.zeros((E_DIM,), dtype=jnp.float32)
    codebook = jax.random.uniform(ks[2], (N_E, E_DIM), dtype=jnp.float32, minval=-1.0 / N_E, maxval=1.0 / N_E)
    W_dec = jax.random.normal(ks[3], (E_DIM, SRC_DIM), dtype=jnp.float32) * (1.0 / np.sqrt(E_DIM))
    b_dec = jnp.zeros((SRC_DIM,), dtype=jnp.float32)
    return {"x": x, "W_enc": W_enc, "b_enc": b_enc, "codebook": codebook, "W_dec": W_dec, "b_dec": b_dec}


def reference(x, W_enc, b_enc, codebook, W_dec, b_dec):
    # encoder: source_to_embed linear
    z = jnp.einsum('btd,de->bte', x, W_enc) + b_enc
    B, T, E = z.shape
    z_flat = z.reshape(-1, E)
    # squared L2 distance to every codebook entry: ||z||^2 + ||e||^2 - 2 z.e
    d = (jnp.sum(z_flat ** 2, axis=1, keepdims=True)
         + jnp.sum(codebook ** 2, axis=1)
         - 2.0 * jnp.einsum('bd,dn->bn', z_flat, jnp.transpose(codebook)))
    min_encoding_indices = jnp.argmin(d, axis=1).reshape(B, T)
    # codebook gather (embedding lookup)
    z_q = jnp.take(codebook, min_encoding_indices, axis=0)
    sg = jax.lax.stop_gradient
    quant_loss = BETA * jnp.mean((sg(z_q) - z) ** 2) + jnp.mean((z_q - sg(z)) ** 2)
    # straight-through estimator
    z_q_ste = z + sg(z_q - z)
    # decoder linear
    out = jnp.einsum('bte,ed->btd', z_q_ste, W_dec) + b_dec
    return (out, quant_loss)

if __name__ == "__main__":
    import jax
    _d = setup_inputs()
    print(jax.jit(kernel)(*tuple(_d.values())))

</pallas_src>

<mosaic_0001>
module attributes {stable_mosaic.version = 14 : i64} {
  func.func @_enc_kernel(%arg0: i32, %arg1: memref<1024x1024xf32, #tpu.memory_space<vmem>>, %arg2: memref<1024x32xf32, #tpu.memory_space<vmem>>, %arg3: memref<1x32xf32, #tpu.memory_space<vmem>>, %arg4: memref<1024x32xf32, #tpu.memory_space<vmem>>) attributes {dimension_semantics = [#tpu.dimension_semantics<arbitrary>], iteration_bounds = array<i64: 8>, scalar_prefetch = 0 : i64, scratch_operands = 0 : i64, tpu.core_type = #tpu.core_type<tc>, window_params = [{transform_indices = @transform_0, window_bounds = array<i64: 1024, 1024>}, {pipeline_mode = #tpu.pipeline_mode<synchronous>, transform_indices = @transform_1, window_bounds = array<i64: 1024, 32>}, {pipeline_mode = #tpu.pipeline_mode<synchronous>, transform_indices = @transform_2, window_bounds = array<i64: 1, 32>}, {transform_indices = @transform_3, window_bounds = array<i64: 1024, 32>}]} {
    %broadcast_in_dim3A = arith.constant 0.000000e+00 : f32
    %broadcast_in_dim3A_0 = vector.broadcast %broadcast_in_dim3A : f32 to vector<1024x32xf32>
    %get3A = arith.constant 0 : index
    %get3A_1 = arith.constant 0 : index
    %get3A_2 = vector.load %arg1[%get3A, %get3A_1] : memref<1024x1024xf32, #tpu.memory_space<vmem>>, vector<1024x256xf32>
    %get3A_3 = arith.constant 0 : index
    %get3A_4 = arith.constant 0 : index
    %get3A_5 = vector.load %arg2[%get3A_3, %get3A_4] : memref<1024x32xf32, #tpu.memory_space<vmem>>, vector<256x32xf32>
    %dot_general3A = arith.constant dense<0.000000e+00> : vector<1024x32xf32>
    %dot_general3A_6 = tpu.matmul %get3A_2, %get3A_5, %dot_general3A {dimension_numbers = #tpu.dot_dimension_numbers<[1], [0], [0], [1], [0, 0, 1, 1], [], []>, transpose_lhs_hint = false} : vector<1024x256xf32>, vector<256x32xf32>, vector<1024x32xf32> -> vector<1024x32xf32>
    %add3A = arith.addf %broadcast_in_dim3A_0, %dot_general3A_6 : vector<1024x32xf32>
    %get3A_7 = arith.constant 0 : index
    %get3A_8 = arith.constant 256 : index
    %get3A_9 = vector.load %arg1[%get3A_7, %get3A_8] : memref<1024x1024xf32, #tpu.memory_space<vmem>>, vector<1024x256xf32>
    %get3A_10 = arith.constant 256 : index
    %get3A_11 = arith.constant 0 : index
    %get3A_12 = vector.load %arg2[%get3A_10, %get3A_11] : memref<1024x32xf32, #tpu.memory_space<vmem>>, vector<256x32xf32>
    %dot_general3A_13 = arith.constant dense<0.000000e+00> : vector<1024x32xf32>
    %dot_general3A_14 = tpu.matmul %get3A_9, %get3A_12, %dot_general3A_13 {dimension_numbers = #tpu.dot_dimension_numbers<[1], [0], [0], [1], [0, 0, 1, 1], [], []>, transpose_lhs_hint = false} : vector<1024x256xf32>, vector<256x32xf32>, vector<1024x32xf32> -> vector<1024x32xf32>
    %add3A_15 = arith.addf %add3A, %dot_general3A_14 : vector<1024x32xf32>
    %get3A_16 = arith.constant 0 : index
    %get3A_17 = arith.constant 512 : index
    %get3A_18 = vector.load %arg1[%get3A_16, %get3A_17] : memref<1024x1024xf32, #tpu.memory_space<vmem>>, vector<1024x256xf32>
    %get3A_19 = arith.constant 512 : index
    %get3A_20 = arith.constant 0 : index
    %get3A_21 = vector.load %arg2[%get3A_19, %get3A_20] : memref<1024x32xf32, #tpu.memory_space<vmem>>, vector<256x32xf32>
    %dot_general3A_22 = arith.constant dense<0.000000e+00> : vector<1024x32xf32>
    %dot_general3A_23 = tpu.matmul %get3A_18, %get3A_21, %dot_general3A_22 {dimension_numbers = #tpu.dot_dimension_numbers<[1], [0], [0], [1], [0, 0, 1, 1], [], []>, transpose_lhs_hint = false} : vector<1024x256xf32>, vector<256x32xf32>, vector<1024x32xf32> -> vector<1024x32xf32>
    %add3A_24 = arith.addf %add3A_15, %dot_general3A_23 : vector<1024x32xf32>
    %get3A_25 = arith.constant 0 : index
    %get3A_26 = arith.constant 768 : index
    %get3A_27 = vector.load %arg1[%get3A_25, %get3A_26] : memref<1024x1024xf32, #tpu.memory_space<vmem>>, vector<1024x256xf32>
    %get3A_28 = arith.constant 768 : index
    %get3A_29 = arith.constant 0 : index
    %get3A_30 = vector.load %arg2[%get3A_28, %get3A_29] : memref<1024x32xf32, #tpu.memory_space<vmem>>, vector<256x32xf32>
    %dot_general3A_31 = arith.constant dense<0.000000e+00> : vector<1024x32xf32>
    %dot_general3A_32 = tpu.matmul %get3A_27, %get3A_30, %dot_general3A_31 {dimension_numbers = #tpu.dot_dimension_numbers<[1], [0], [0], [1], [0, 0, 1, 1], [], []>, transpose_lhs_hint = false} : vector<1024x256xf32>, vector<256x32xf32>, vector<1024x32xf32> -> vector<1024x32xf32>
    %add3A_33 = arith.addf %add3A_24, %dot_general3A_32 : vector<1024x32xf32>
    %get3A_34 = arith.constant 0 : index
    %get3A_35 = arith.constant 0 : index
    %get3A_36 = vector.load %arg3[%get3A_34, %get3A_35] : memref<1x32xf32, #tpu.memory_space<vmem>>, vector<1x32xf32>
    %add3A_37 = vector.broadcast %get3A_36 : vector<1x32xf32> to vector<1024x32xf32>
    %add3A_38 = arith.addf %add3A_33, %add3A_37 : vector<1024x32xf32>
    %swap3A = arith.constant 0 : index
    %swap3A_39 = arith.constant 0 : index
    %swap3A_40 = vector.load %arg4[%swap3A, %swap3A_39] : memref<1024x32xf32, #tpu.memory_space<vmem>>, vector<1024x32xf32>
    tpu.vector_store %arg4[%swap3A, %swap3A_39], %add3A_38 {strides = array<i32>} : memref<1024x32xf32, #tpu.memory_space<vmem>>, vector<1024x32xf32>,
    return
  }
  func.func @transform_0(%arg0: i32) -> (i32, i32) {
    %c0_i32 = arith.constant 0 : i32
    %c0_i32_0 = arith.constant 0 : i32
    return %arg0, %c0_i32 : i32, i32
  }
  func.func @transform_1(%arg0: i32) -> (i32, i32) {
    %c0_i32 = arith.constant 0 : i32
    %c0_i32_0 = arith.constant 0 : i32
    %c0_i32_1 = arith.constant 0 : i32
    return %c0_i32, %c0_i32_0 : i32, i32
  }
  func.func @transform_2(%arg0: i32) -> (i32, i32) {
    %c0_i32 = arith.constant 0 : i32
    %c0_i32_0 = arith.constant 0 : i32
    %c0_i32_1 = arith.constant 0 : i32
    return %c0_i32, %c0_i32_0 : i32, i32
  }
  func.func @transform_3(%arg0: i32) -> (i32, i32) {
    %c0_i32 = arith.constant 0 : i32
    %c0_i32_0 = arith.constant 0 : i32
    return %arg0, %c0_i32 : i32, i32
  }
}

module attributes {stable_mosaic.version = 14 : i64} {
  func.func @_dec_kernel(%arg0: i32, %arg1: memref<1024x32xf32, #tpu.memory_space<vmem>>, %arg2: memref<1024x32xf32, #tpu.memory_space<vmem>>, %arg3: memref<32x1024xf32, #tpu.memory_space<vmem>>, %arg4: memref<1x1024xf32, #tpu.memory_space<vmem>>, %arg5: memref<1024x1024xf32, #tpu.memory_space<vmem>>, %arg6: memref<1x1xf32, #tpu.memory_space<vmem>>) attributes {dimension_semantics = [#tpu.dimension_semantics<arbitrary>], iteration_bounds = array<i64: 8>, scalar_prefetch = 0 : i64, scratch_operands = 0 : i64, tpu.core_type = #tpu.core_type<tc>, window_params = [{transform_indices = @transform_0, window_bounds = array<i64: 1024, 32>}, {transform_indices = @transform_1, window_bounds = array<i64: 1024, 32>}, {pipeline_mode = #tpu.pipeline_mode<synchronous>, transform_indices = @transform_2, window_bounds = array<i64: 32, 1024>}, {pipeline_mode = #tpu.pipeline_mode<synchronous>, transform_indices = @transform_3, window_bounds = array<i64: 1, 1024>}, {transform_indices = @transform_4, window_bounds = array<i64: 1024, 1024>}, {pipeline_mode = #tpu.pipeline_mode<synchronous>, transform_indices = @transform_5, window_bounds = array<i64: 1, 1>}]} {
    %get3A = arith.constant 0 : index
    %get3A_0 = arith.constant 0 : index
    %get3A_1 = vector.load %arg2[%get3A, %get3A_0] : memref<1024x32xf32, #tpu.memory_space<vmem>>, vector<1024x32xf32>
    %get3A_2 = arith.constant 0 : index
    %get3A_3 = arith.constant 0 : index
    %get3A_4 = vector.load %arg1[%get3A_2, %get3A_3] : memref<1024x32xf32, #tpu.memory_space<vmem>>, vector<1024x32xf32>
    %sub3A = arith.subf %get3A_4, %get3A_1 : vector<1024x32xf32>
    %add3A = arith.addf %get3A_1, %sub3A : vector<1024x32xf32>
    %get3A_5 = arith.constant 0 : index
    %get3A_6 = arith.constant 0 : index
    %get3A_7 = vector.load %arg3[%get3A_5, %get3A_6] : memref<32x1024xf32, #tpu.memory_space<vmem>>, vector<32x1024xf32>
    %dot_general3A = arith.constant dense<0.000000e+00> : vector<1024x1024xf32>
    %dot_general3A_8 = tpu.matmul %add3A, %get3A_7, %dot_general3A {dimension_numbers = #tpu.dot_dimension_numbers<[1], [0], [0], [1], [0, 0, 1, 1], [], []>, transpose_lhs_hint = false} : vector<1024x32xf32>, vector<32x1024xf32>, vector<1024x1024xf32> -> vector<1024x1024xf32>
    %get3A_9 = arith.constant 0 : index
    %get3A_10 = arith.constant 0 : index
    %get3A_11 = vector.load %arg4[%get3A_9, %get3A_10] : memref<1x1024xf32, #tpu.memory_space<vmem>>, vector<1x1024xf32>
    %add3A_12 = vector.broadcast %get3A_11 : vector<1x1024xf32> to vector<1024x1024xf32>
    %add3A_13 = arith.addf %dot_general3A_8, %add3A_12 : vector<1024x1024xf32>
    %swap3A = arith.constant 0 : index
    %swap3A_14 = arith.constant 0 : index
    %swap3A_15 = vector.load %arg5[%swap3A, %swap3A_14] : memref<1024x1024xf32, #tpu.memory_space<vmem>>, vector<1024x1024xf32>
    tpu.vector_store %arg5[%swap3A, %swap3A_14], %add3A_13 {strides = array<i32>} : memref<1024x1024xf32, #tpu.memory_space<vmem>>, vector<1024x1024xf32>,
    %mul3A = arith.mulf %sub3A, %sub3A : vector<1024x32xf32>
    %reduce_sum3A = vector.shape_cast %mul3A : vector<1024x32xf32> to vector<1x1024x32xf32>
    %reduce_sum3A_16 = arith.constant dense<0.000000e+00> : vector<1xf32>
    %reduce_sum3A_17 = vector.multi_reduction <add>, %reduce_sum3A, %reduce_sum3A_16 [1, 2] : vector<1x1024x32xf32> to vector<1xf32>
    %reduce_sum3A_18 = vector.shape_cast %reduce_sum3A_17 : vector<1xf32> to vector<1x1x1xf32>
    %reduce_sum3A_19 = vector.extract %reduce_sum3A_18[0, 0, 0] : f32 from vector<1x1x1xf32>
    %broadcast_in_dim3A = vector.broadcast %reduce_sum3A_19 : f32 to vector<1x1xf32>
    %eq3A = arith.constant 0 : i32
    %eq3A_20 = arith.cmpi eq, %arg0, %eq3A : i32
    %get3A_21 = arith.constant 0 : index
    %get3A_22 = arith.constant 0 : index
    %get3A_23 = vector.load %arg6[%get3A_21, %get3A_22] : memref<1x1xf32, #tpu.memory_space<vmem>>, vector<1x1xf32>
    %add3A_24 = arith.addf %get3A_23, %broadcast_in_dim3A : vector<1x1xf32>
    %select_n3A = arith.select %eq3A_20, %broadcast_in_dim3A, %add3A_24 : vector<1x1xf32>
    %swap3A_25 = arith.constant 0 : index
    %swap3A_26 = arith.constant 0 : index
    %swap3A_27 = vector.load %arg6[%swap3A_25, %swap3A_26] : memref<1x1xf32, #tpu.memory_space<vmem>>, vector<1x1xf32>
    tpu.vector_store %arg6[%swap3A_25, %swap3A_26], %select_n3A {strides = array<i32>} : memref<1x1xf32, #tpu.memory_space<vmem>>, vector<1x1xf32>,
    return
  }
  func.func @transform_0(%arg0: i32) -> (i32, i32) {
    %c0_i32 = arith.constant 0 : i32
    %c0_i32_0 = arith.constant 0 : i32
    return %arg0, %c0_i32 : i32, i32
  }
  func.func @transform_1(%arg0: i32) -> (i32, i32) {
    %c0_i32 = arith.constant 0 : i32
    %c0_i32_0 = arith.constant 0 : i32
    return %arg0, %c0_i32 : i32, i32
  }
  func.func @transform_2(%arg0: i32) -> (i32, i32) {
    %c0_i32 = arith.constant 0 : i32
    %c0_i32_0 = arith.constant 0 : i32
    %c0_i32_1 = arith.constant 0 : i32
    return %c0_i32, %c0_i32_0 : i32, i32
  }
  func.func @transform_3(%arg0: i32) -> (i32, i32) {
    %c0_i32 = arith.constant 0 : i32
    %c0_i32_0 = arith.constant 0 : i32
    %c0_i32_1 = arith.constant 0 : i32
    return %c0_i32, %c0_i32_0 : i32, i32
  }
  func.func @transform_4(%arg0: i32) -> (i32, i32) {
    %c0_i32 = arith.constant 0 : i32
    %c0_i32_0 = arith.constant 0 : i32
    return %arg0, %c0_i32 : i32, i32
  }
  func.func @transform_5(%arg0: i32) -> (i32, i32) {
    %c0_i32 = arith.constant 0 : i32
    %c0_i32_0 = arith.constant 0 : i32
    %c0_i32_1 = arith.constant 0 : i32
    return %c0_i32, %c0_i32_0 : i32, i32
  }
}

</mosaic_0001>

<sc_bundles>
// kernel: gather_offload_async_start
scs
__scs_entry_jumppad:
0x0: {  	(pc) =	sbr.rel $0x88, $3  }
0x1: {  	(tag) =	ssettag $0x0;
	lr =	simm.s32 $0x1  }
0x2: {  	[smem:$0x3F9B] =	sst lr;
	_ =	strace $0xD0000000  }
0x3: {  	_ = 	snop  }
0x4: {  	_ = 	snop  }
0x5: {  	_ = 	snop  }
0x6: {  	_ = 	snop  }
0x7: {  	_ = 	snop  }
__scs_overlays_trampoline_lowered:
0x8: {  	[smem:$0x3FAA] =	sst s0  }
0x9: {  	[smem:$0x3FAB] =	sst s1  }
0xa: {  	[smem:$0x3FAC] =	sst s2  }
0xb: {  	[smem:$0x3FAD] =	sst s3  }
0xc: {  	[smem:$0x3FAE] =	sst s4  }
0xd: {  	[smem:$0x3FAF] =	sst s5  }
0xe: {  	[smem:$0x3FB0] =	sst s6  }
0xf: {  	[smem:$0x3FB1] =	sst s7  }
0x10: {  	[smem:$0x3FB2] =	sst s8  }
0x11: {  	[smem:$0x3FB3] =	sst s9;
	s0 =	simm.s32 @!p0 $0x0  }
0x12: {  	s1 =	sld [smem:$0x3F99];
	s0 =	simm.s32 @p0 $0x1  }
0x13: {  	[smem:$0x3FB4] =	sst s0;
	s0 =	simm.s32 @!p1 $0x0  }
0x14: {  	s2 =	sld [smem:$0x3F98];
	s0 =	simm.s32 @p1 $0x1  }
0x15: {  	[smem:$0x3FB5] =	sst s0;
	s0 =	simm.s32 @!p2 $0x0  }
0x16: {  	s3 =	sld [smem:$0x3FDB];
	s0 =	simm.s32 @p2 $0x1  }
0x17: {  	s4 =	simm.s32 $0x1BF5;
	[smem:$0x3FB7] =	sst s0  }
0x18: {  	s0 =	sld [smem:$0x3F9A];
	_ =	swait.ge [sflag:s4], $0x0  }
0x19: {  	s7 =	sld [smem:$0x3F9B]  }
0x1a: {  	s8 =	sadd.s32 $0xFFFFE003, lr  }
0x1b: {  	s9 =	sadd.s32 $0xFFFFFEF7, lr;
	s5 =	simm.s32 $0xFFFFFFFF;
	p2 =	slt.u32 s8, $0xFFFFF086  }
0x1c: {  	p1 =	slt.u32 s9, $0xF7A;
	s5 =	simm.s32 @!p2 $0x0  }
0x1d: {  	s5 =	simm.s32 @p1 $0x1;
	p0 =	seq.s32 s7, s2  }
0x1e: {  	s7 =	smul.u32 @!p0 $0xF7A, s2;
	p2 =	seq.s32 @!p0 s5, $0x0  }
0x1f: {  	s9 =	smul.u32 $0xF7A, s1;
	s8 =	simm.s32 @!p0 $0x1BF5;
	p2 =	por !p2, p0  }
0x20: {  	[sflag:s8] =	ssyncset.s32 @!p0 $0xFFFFF086;
	s6 =	sadd.s32 @!p0 s3, s7;
	s7 =	simm.s32 @!p0 $0x108  }
0x21: {  	s3 =	sadd.s32 s3, s9;
	s6 =	sadd.s32 @!p0 $0x88, s6;
	s7 =	simm.s32 @p2 $0x1082  }
0x22: {  	[simem:s7], [sflag:s8] =	dma.local @!p0 [hbm:s6], $0xF7A  }
0x23: {  	s9 =	sor.u32 $0xD0000000, s2;
	s6 =	simm.s32 $0x108;
	_ =	swait.ge @!p0 [sflag:s8], $0x0  }
0x24: {  	s3 =	sadd.s32 $0x88, s3;
	s6 =	simm.s32 @!p1 $0x1082;
	[sflag:s4] =	ssyncset.s32 $0xFFFFF086  }
0x25: {  	[simem:s6], [sflag:s4] =	dma.local [hbm:s3], $0xF7A  }
0x26: {  	[smem:$0x3F9B] =	sst s1;
	(tag) =	ssettag s2;
	_ =	strace s9  }
0x27: {  	s1 =	sld [smem:$0x3FAB]  }
0x28: {  	s2 =	sld [smem:$0x3FAC]  }
0x29: {  	s4 =	sld [smem:$0x3FAE]  }
0x2a: {  	p0 =	seq.s32 s5, $0x0;
	s5 =	sld [smem:$0x3FAF]  }
0x2b: {  	s6 =	sld [smem:$0x3FB0]  }
0x2c: {  	s7 =	sld [smem:$0x3FB1]  }
0x2d: {  	s3 =	simm.s32 $0x108;
	s8 =	sld [smem:$0x3FB2]  }
0x2e: {  	s3 =	simm.s32 @!p0 $0x1082;
	s9 =	sld [smem:$0x3FB3]  }
0x2f: {  	lr =	sadd.s32 s0, s3;
	s0 =	sld [smem:$0x3FAA]  }
0x30: {  	s3 =	sld [smem:$0x3FAD]  }
0x31: {  	[smem:$0x3FB6] =	sst s10  }
0x32: {  	s10 =	sld [smem:$0x3FB4];
	_ =	sdelay $0x3  }
0x33: {  	p0 =	seq.s32 s10, $0x1;
	s10 =	sld [smem:$0x3FB6];
	_ =	sdelay $0x3  }
0x34: {  	[smem:$0x3FB6] =	sst s10  }
0x35: {  	s10 =	sld [smem:$0x3FB5];
	_ =	sdelay $0x3  }
0x36: {  	p1 =	seq.s32 s10, $0x1;
	s10 =	sld [smem:$0x3FB6];
	_ =	sdelay $0x3  }
0x37: {  	[smem:$0x3FB6] =	sst s10  }
0x38: {  	s10 =	sld [smem:$0x3FB7]  }
0x39: {  	_ = 	snop;
	(pc) =	sbr.ind lr, $3  }
0x3a: {  	_ = 	snop  }
0x3b: {  	_ = 	snop  }
0x3c: {  	p2 =	seq.s32 s10, $0x1;
	s10 =	sld [smem:$0x3FB6]  }
0x3d: {  	_ =	shalt  }
0x3e: {  	_ =	shalt  }
0x3f: {  	_ =	shalt  }
0x40: {  	_ =	shalt  }
0x41: {  	_ =	shalt  }
0x42: {  	_ =	shalt  }
0x43: {  	_ =	shalt  }
0x44: {  	_ =	shalt  }
0x45: {  	_ =	shalt  }
0x46: {  	_ =	shalt  }
0x47: {  	_ =	shalt  }
0x48: {  	_ =	shalt  }
0x49: {  	_ =	shalt  }
0x4a: {  	_ =	shalt  }
0x4b: {  	_ =	shalt  }
0x4c: {  	_ =	shalt  }
0x4d: {  	_ =	shalt  }
0x4e: {  	_ =	shalt  }
0x4f: {  	_ =	shalt  }
0x50: {  	_ =	shalt  }
0x51: {  	_ =	shalt  }
0x52: {  	_ =	shalt  }
0x53: {  	_ =	shalt  }
0x54: {  	_ =	shalt  }
0x55: {  	_ =	shalt  }
0x56: {  	_ =	shalt  }
0x57: {  	_ =	shalt  }
0x58: {  	_ =	shalt  }
0x59: {  	_ =	shalt  }
0x5a: {  	_ =	shalt  }
0x5b: {  	_ =	shalt  }
0x5c: {  	_ =	shalt  }
0x5d: {  	_ =	shalt  }
0x5e: {  	_ =	shalt  }
0x5f: {  	_ =	shalt  }
0x60: {  	_ =	shalt  }
0x61: {  	_ =	shalt  }
0x62: {  	_ =	shalt  }
0x63: {  	_ =	shalt  }
0x64: {  	_ =	shalt  }
0x65: {  	_ =	shalt  }
0x66: {  	_ =	shalt  }
0x67: {  	_ =	shalt  }
0x68: {  	_ =	shalt  }
0x69: {  	_ =	shalt  }
0x6a: {  	_ =	shalt  }
0x6b: {  	_ =	shalt  }
0x6c: {  	_ =	shalt  }
0x6d: {  	_ =	shalt  }
0x6e: {  	_ =	shalt  }
0x6f: {  	_ =	shalt  }
0x70: {  	_ =	shalt  }
0x71: {  	_ =	shalt  }
0x72: {  	_ =	shalt  }
0x73: {  	_ =	shalt  }
0x74: {  	_ =	shalt  }
0x75: {  	_ =	shalt  }
0x76: {  	_ =	shalt  }
0x77: {  	_ =	shalt  }
0x78: {  	_ =	shalt  }
0x79: {  	_ =	shalt  }
0x7a: {  	_ =	shalt  }
0x7b: {  	_ =	shalt  }
0x7c: {  	_ =	shalt  }
0x7d: {  	_ =	shalt  }
0x7e: {  	_ =	shalt  }
0x7f: {  	_ =	shalt  }
0x80: {  	_ =	shalt  }
0x81: {  	_ =	shalt  }
0x82: {  	_ =	shalt  }
0x83: {  	_ =	shalt  }
0x84: {  	_ =	shalt  }
0x85: {  	_ =	shalt  }
0x86: {  	_ =	shalt  }
0x87: {  	_ =	shalt  }
.Lfunc_end0:
.L_simem_size_0:
called_computation_lowered:
.L_overlay_start_0:
0x88: {  	s2 =	sld [smem:$0x3FD9]  }
0x89: {  	s3 =	sld [smem:$0x3FFE];
	_ =	sdelay $0x1  }
0x8a: {  	s1 =	srdreg.scid  }
0x8b: {  	s0 =	sand.u32 $0x1, s1  }
0x8c: {  	s14 =	sshll.u32 s0, $0xA;
	s2 =	sadd.s32 s3, s2  }
0x8d: {  	s2 =	sadd.s32 s2, s14  }
0x8e: {  	[smem:$0x3FC2] =	sst s2  }
0x8f: {  	_ = 	snop  }
0x90: {  	s2 =	sld [smem:$0x3FD0];
	_ =	sdelay $0x2  }
0x91: {  	s15 =	simm.s32 $0xA;
	s4 =	simm.s32 $0x10  }
0x92: {  	[smem:s4], [sflag:s15] =	dma.local [hbm:s2], $0x1  }
0x93: {  	_ =	swait.eq [sflag:s15], $0x1  }
0x94: {  	[sflag:s15] =	ssyncset.done $0x0  }
0x95: {  	[sflag:s15] =	ssyncadd.s32 $0xFFFFFFFF  }
0x96: {  	s16 =	sld [smem:$0x10];
	(tm) =	ssettm $0x1  }
0x97: {  	s17 =	sld [smem:$0x3FFB];
	_ =	sdelay $0x3  }
0x98: {  	_ =	strace s17  }
0x99: {  	s3 =	sld [smem:$0x3FFC];
	_ =	sdelay $0x3  }
0x9a: {  	_ =	strace s3  }
0x9b: {  	s3 =	sld [smem:$0x3FFD];
	_ =	sdelay $0x3  }
0x9c: {  	_ =	strace s3  }
0x9d: {  	_ =	strace $0x8FFFFFFF  }
0x9e: {  	s18 =	sld [smem:$0x3FDB];
	_ =	sdelay $0x1  }
0x9f: {  	s19 =	simm.s32 $_scs_section_size  }
0xa0: {  	s5 =	simm.s32 $_size__tile_overlayer_lowered;
	s6 =	simm.s32 $_tile_overlayer_lowered  }
0xa1: {  	s22 =	simm.s32 $0x1BFF;
	s21 =	sshll.u32 s6, $0x1;
	s3 =	sadd.s32 s19, s18  }
0xa2: {  	s7 =	simm.s32 $0x0;
	s20 =	sshll.u32 s5, $0x1;
	s5 =	sadd.s32 s21, s3  }
0xa3: {  	[timem:s7], [sflag:s22] =	dma.local [hbm:s5], s20  }
0xa4: {  	_ =	swait.ge [sflag:s22], s20  }
0xa5: {  	s4 =	ssub.s32 $0x0, s20;
	[sflag:s22] =	ssyncset.done $0x0  }
0xa6: {  	[sflag:s22] =	ssyncadd.s32 s4;
	_ =	sdelay $0x1  }
0xa7: {  	s23 =	simm.s32 $0x1B8B  }
0xa8: {  	_ =	swait.ge [sflag:s23], $0x1  }
0xa9: {  	[sflag:s23] =	ssyncset.done $0x0  }
0xaa: {  	s25 =	simm.s32 $0x1B8E;
	s24 =	sld [smem:$0x3FFE];
	[sflag:s23] =	ssyncadd.s32 $0xFFFFFFFF  }
0xab: {  	s26 =	simm.s32 $execute0_lowered;
	[smem:$0x3FD2] =	sst s25  }
0xac: {  	s5 =	sshll.u32 s26, $0x1;
	_ =	strace $0x80000046;
	[dreg:$0x1] =	wrdreg $0xFFFFFFFF  }
0xad: {  	s28 =	simm.s32 $_size_execute0_lowered;
	s3 =	sadd.s32 s3, s5;
	[dreg:$0x0] =	wrdreg $0x0  }
0xae: {  	s5 =	sshll.u32 s28, $0x1;
	[dreg:$0x2] =	wrdreg s3  }
0xaf: {  	[dreg:$0x3] =	wrdreg s5  }
0xb0: {  	[dreg:$0x4] =	wrdreg $0xC0  }
0xb1: {  	_ =	task [dreg:s7], $0x5FFFF  }
0xb2: {  	[dreg:$0x1] =	wrdreg $0xFFFFFFFF  }
0xb3: {  	[dreg:$0x0] =	wrdreg $0x60  }
0xb4: {  	[dreg:$0x2] =	wrdreg s16  }
0xb5: {  	[dreg:$0x3] =	wrdreg s24  }
0xb6: {  	[dreg:$0x4] =	wrdreg $0x9  }
0xb7: {  	_ =	task.clear_ibuf [dreg:s7], $0x5FFFF;
	_ =	strace $0x90000046  }
0xb8: {  	s29 =	simm.s32 $0x9;
	_ =	strace $0x80000048  }
0xb9: {  	_ =	swait.ge [sflag:s29], $0x1  }
0xba: {  	[sflag:s29] =	ssyncadd.s32 $0xFFFFFFFF  }
0xbb: {  	_ =	strace $0x90000048  }
0xbc: {  	_ =	sfence  }
0xbd: {  	s30 =	sld [smem:$0x0];
	_ =	sdelay $0x2  }
0xbe: {  	s31 =	sshll.u32 s1, $0xD;
	s1 =	sshrl.u32 s1, $0x2  }
0xbf: {  	s3 =	sand.u32 $0x4000, s31;
	s1 =	sadd.s32 s1, s30  }
0xc0: {  	s0 =	sor.u32 s3, s0;
	s1 =	sshll.u32 s1, $0x11  }
0xc1: {  	s0 =	sor.u32 s1, s0  }
0xc2: {  	s0 =	sadd.s32 $0x8F2B, s0  }
0xc3: {  	[sflag:s0] =	ssyncadd.remote.s32 $0x1  }
0xc4: {  	_ =	sfence.sel $0xFFFF  }
0xc5: {  	[dreg:$0x0] =	wrdreg $0xFFFFFFFF;
	(pc) =	sbr.abs _section_cstart, $3  }
0xc6: {  	[dreg:$0x1] =	wrdreg $0xFFFFFFFF  }
0xc7: {  	_ =	task.clear_ibuf [dreg:s7], $0x2FFFF;
	_ =	strace $0x9FFFFFFF  }
0xc8: {  	(tm) =	ssettm $0x7FFFFFFF  }
0xc9: {  	_ =	shalt  }
tec
execute0_lowered:
.L_overlay_start_1:
0x0: {  	(tag) =	ssettag $0x1  }
0x1: {  	s2 =	rddreg [dreg:$0x0]  }
0x2: {  	s3 =	rddreg [dreg:$0x1]  }
0x3: {  	s0 =	rddreg [dreg:$0x2];
	s1 =	srdreg.scid;
	_ =	strace $0x80000047  }
0x4: {  	s4 =	simm.s32 $0x1;
	s9 =	simm.s32 $0x3;
	s5 =	sshll.u32 s1, $0x4  }
.Ltmp0:
0x5: {  	s1 =	stileid.u32;
	s5 =	sand.u32 $0x10, s5;
	(pc) =	sbr.rel .LBB2_1-.Ltmp0, $4  }
0x6: {  	s12 =	simm.s32 $0x0;
	s10 =	simm.s32 $0x0;
	s6 =	sor.u32 s1, s5  }
0x7: {  	[sflag:s4] =	ssyncpa.u1 $0x0;
	s5 =	simm.s32 $0x2;
	s6 =	sshll.u32 s6, $0x8  }
0x8: {  	s7 =	sadd.s32 $0x400, s3;
	[sflag:s5] =	ssyncpa.u1 $0x0;
	s8 =	sadd.s32 $0x100, s6  }
0x9: {  	vm0 =	vmmov $0xff;
	vm1 =	vcmask $0x3F20;
	[sflag:s9] =	ssyncpa.u1 $0x0;
	s9 =	simm.s32 $0x100;
	s11 =	smov.u32 s6  }
.LBB2_9:
0xa: {  	p0 =	seq.s32 s10, $0x2  }
.Ltmp1:
0xb: {  	_ = 	snop;
	(pc) =	sbr.rel @p0 .LBB2_11-.Ltmp1, $1  }
0xc: {  	_ =	sdelay $0x3  }
.LBB2_10:
0xd: {  	s12 =	sadd.s32 $0x100, s11  }
0xe: {  	s13 =	smov.u32 s6;
	p0 =	slt.s32 s12, s8  }
0xf: {  	s13 =	smov.u32 @p0 s12  }
0x10: {  	s10 =	sadd.s32 $0x1, s10;
	s12 =	smov.u32 s11;
	s11 =	smov.u32 s13  }
.LBB2_1:
0x11: {  	p0 =	sne.s32 s10, $0x0  }
.Ltmp2:
0x12: {  	_ = 	snop;
	(pc) =	sbr.rel @!p0 .LBB2_2-.Ltmp2, $1  }
0x13: {  	_ =	sdelay $0x3  }
0x14: {  	s13 =	sand.u32 $0x1, s10  }
0x15: {  	p0 =	seq.s32 s13, $0x0  }
.Ltmp3:
0x16: {  	_ = 	snop;
	(pc) =	sbr.rel @p0 .LBB2_9-.Ltmp3, $1  }
0x17: {  	_ =	sdelay $0x3  }
0x18: {  	_ =	swait.ge [sflag:s5], $0x100  }
0x19: {  	[sflag:s5] =	ssyncset.done $0x0  }
0x1a: {  	s13 =	simm.s32 $0x0;
	[sflag:s5] =	ssyncadd.s32 $0xFFFFFF00  }
0x1b: {  	v0 =	vld.msk [tilespmem:s13+$0x100 ss:$0x1], $0xffff;
	_ =	sdelay $0x4  }
0x1c: {  	vm2 =	vgt.s32 v0, $0x0  }
0x1d: {  	v0 =	vnsel vm2, $0x0, v0  }
0x1e: {  	v0 =	vmin.u32 v0, $0x1FFF  }
0x1f: {  	v0 =	vshll.u32 v0, $0x4;
	_ =	sdelay $0x3  }
0x20: {  	s13 =	simm.s32 $0x8200  }
0x21: {  	[tilespmem:s13], [sflag:$0x1] =	stream.indirect_vreg.gather [hbm:s2], $0x80, v0, vm0, $0x38;
	[tilespmem:$0x10200] =	vst v63  }
0x22: {  	s14 =	simm.s32 $0x8600;
	s31 =	simm.s32 $0x10  }
0x23: {  	[tilespmem:s14], [sflag:$0x1] =	stream.indirect_vreg.gather [hbm:s2], $0x80, v0, vm1, $0x38;
	[tilespmem:$0x10200] =	vst v63  }
0x24: {  	s14 =	simm.s32 $0x80;
	v0 =	vld.msk [tilespmem:s31+$0x100 ss:$0x1], $0xffff  }
.LBB2_5:
0x25: {  	p0 =	sne.s32 s14, $0x3C0;
	_ =	sdelay $0x4  }
0x26: {  	vm2 =	vgt.s32 v0, $0x0  }
0x27: {  	v0 =	vnsel vm2, $0x0, v0  }
0x28: {  	v0 =	vmin.u32 v0, $0x1FFF  }
0x29: {  	v0 =	vshll.u32 v0, $0x4;
	_ =	sdelay $0x3  }
.Ltmp4:
0x2a: {  	s13 =	sadd.s32 $0x800, s13;
	(pc) =	sbr.rel @p0 .LBB2_5-.Ltmp4, $4  }
0x2b: {  	[tilespmem:s13], [sflag:$0x1] =	stream.indirect_vreg.gather [hbm:s2], $0x80, v0, vm0, $0x38;
	[tilespmem:$0x10200] =	vst v63  }
0x2c: {  	s15 =	sshra.s32 s14, $0x2;
	s16 =	sadd.s32 $0x400, s13  }
0x2d: {  	[tilespmem:s16], [sflag:$0x1] =	stream.indirect_vreg.gather [hbm:s2], $0x80, v0, vm1, $0x38;
	[tilespmem:$0x10200] =	vst v63  }
0x2e: {  	s14 =	sadd.s32 $0x40, s14;
	v0 =	vld.msk [tilespmem:s15+$0x100 ss:$0x1], $0xffff  }
0x2f: {  	_ =	sdelay $0x3  }
0x30: {  	vm2 =	vgt.s32 v0, $0x0  }
0x31: {  	v0 =	vnsel vm2, $0x0, v0  }
0x32: {  	v0 =	vmin.u32 v0, $0x1FFF  }
0x33: {  	v0 =	vshll.u32 v0, $0x4;
	_ =	sdelay $0x3  }
0x34: {  	s13 =	sadd.s32 $0x800, s13  }
0x35: {  	[tilespmem:s13], [sflag:$0x1] =	stream.indirect_vreg.gather [hbm:s2], $0x80, v0, vm0, $0x38;
	[tilespmem:$0x10200] =	vst v63  }
0x36: {  	s13 =	sadd.s32 $0x400, s13  }
0x37: {  	[tilespmem:s13], [sflag:$0x1] =	stream.indirect_vreg.gather [hbm:s2], $0x80, v0, vm1, $0x38;
	[tilespmem:$0x10200] =	vst v63  }
0x38: {  	s12 =	sshll.u32 s12, $0x4;
	s14 =	simm.s32 $0x80;
	_ =	swait.ge [sflag:s4], $0x8000  }
0x39: {  	s15 =	simm.s32 $0x8600;
	s12 =	sadd.s32 s12, s7;
	[sflag:s4] =	ssyncset.done $0x0  }
0x3a: {  	s16 =	sadd.s32 $0x0, s12;
	s13 =	simm.s32 $0x8200;
	[sflag:s4] =	ssyncadd.s32 $0xFFFF8000  }
.LBB2_7:
0x3b: {  	[hbm:s16] =	stream.linear.scatter [tilespmem:s13], [sflag:$0x3], $0x400, $0x38;
	[tilespmem:$0x10200] =	vst v63  }
0x3c: {  	s16 =	smov.u32 s14;
	s13 =	smov.u32 s15;
	p0 =	sne.s32 s14, $0xF80  }
.Ltmp5:
0x3d: {  	s14 =	sadd.s32 $0x80, s14;
	(pc) =	sbr.rel @p0 .LBB2_7-.Ltmp5, $2  }
0x3e: {  	_ =	sdelay $0x2  }
0x3f: {  	s15 =	sadd.s32 $0x400, s15;
	s16 =	sadd.s32 s16, s12  }
.Ltmp6:
0x40: {  	(pc) =	sbr.rel .LBB2_9-.Ltmp6, $2  }
0x41: {  	_ =	sdelay $0x2  }
0x42: {  	[hbm:s16] =	stream.linear.scatter [tilespmem:s13], [sflag:$0x3], $0x400, $0x38;
	[tilespmem:$0x10200] =	vst v63  }
.LBB2_2:
.Ltmp7:
0x43: {  	(pc) =	sbr.rel .LBB2_10-.Ltmp7, $4  }
0x44: {  	_ = 	snop  }
0x45: {  	s12 =	sshrl.u32 s11, $0x3  }
0x46: {  	s13 =	sand.u32 $0x7, s11;
	s12 =	sadd.s32 s3, s12  }
0x47: {  	[tilespmem:s9], [sflag:$0x2] =	stream.linear.gather [hbm4b:s12+s13], $0x100, $0x38;
	[tilespmem:$0x10200] =	vst v63  }
.LBB2_11:
0x48: {  	s2 =	simm.s32 $0x3  }
0x49: {  	_ =	swait.ge [sflag:s2], $0x8000  }
0x4a: {  	[sflag:s2] =	ssyncset.done $0x0  }
0x4b: {  	[sflag:s2] =	ssyncadd.s32 $0xFFFF8000  }
0x4c: {  	_ =	sfence.sel $0x180000  }
0x4d: {  	s3 =	simm.s32 $0x2;
	[bflag:$0x0] =	sbarrier.arrive $0xFFFF  }
0x4e: {  	[sflag:s3] =	ssyncpa.u1 $0x1  }
0x4f: {  	s31 =	simm.s32 $0x1;
	[sflag:s2] =	ssyncpa.u1 $0x1  }
0x50: {  	[sflag:s31] =	ssyncpa.u1 $0x1  }
0x51: {  	p0 =	sne.s32 s1, $0x0;
	_ =	strace $0x90000047  }
0x52: {  	s0 =	sadd.s32 @!p0 $0x100000, s0;
	[bflag:$0x2] =	sbarrier.arrive $0xFFFF  }
0x53: {  	[sflag:s0] =	ssyncadd.tile.s32 @!p0 $0x1;
	_ =	shalt  }
.Lfunc_end2:
_tile_overlayer_lowered:
.L_overlay_start_2:
0x54: {  	(tag) =	ssettag $0x2  }
0x55: {  	s0 =	rddreg [dreg:$0x0];
	s2 =	stileid.u32  }
0x56: {  	s1 =	rddreg [dreg:$0x1];
	p0 =	sne.s32 s2, $0x0  }
0x57: {  	s3 =	rddreg [dreg:$0x2];
	[bflag:$0x3] =	sbarrier.arrive $0xFFFF;
	s2 =	simm.s32 @!p0 $0x1C01  }
0x58: {  	[timem:s3], [sflag:s2] =	dma.local @!p0 [hbm:s0], s1  }
0x59: {  	s0 =	simm.s32 @!p0 $0x1  }
0x5a: {  	_ =	swait.ge @!p0 [sflag:s0], s1  }
0x5b: {  	s1 =	ssub.s32 @!p0 $0x0, s1;
	[sflag:s0] =	ssyncset.done @!p0 $0x0  }
0x5c: {  	[sflag:s0] =	ssyncadd.s32 @!p0 s1  }
0x5d: {  	[bflag:$0x3] =	sbarrier.arrive $0xFFFF  }
0x5e: {  	_ =	shalt  }

</sc_bundles>
